<compile_context>
chip_gen: v7x
topology: tpu7x:2x2x1
jax: 0.10.2.dev20260603
libtpu: 0.0.44.dev20260713+nightly
codegen_flags: <defaults>
</compile_context>

<pallas_src>
import jax
import jax.numpy as jnp
from jax import lax
from jax.experimental import pallas as pl
from jax.experimental.pallas import tpu as pltpu
from jax.experimental.pallas import tpu_sc as plsc

_NC, _NS = 2, 16
_NW = _NC * _NS
_TOTAL = 12_800_000
_W = _TOTAL // _NW
_CH = 50_000
_NCHUNK = _W // _CH


def _sc_copy(x_hbm, out_hbm, buf0, buf1, gsem0, gsem1, ssem0, ssem1):
    c = lax.axis_index("c")
    s = lax.axis_index("s")
    wid = s * _NC + c
    base = wid * _W
    bufs = (buf0, buf1)
    gsems = (gsem0, gsem1)
    ssems = (ssem0, ssem1)
    gathers = [None] * _NCHUNK
    scatters = [None] * _NCHUNK
    gathers[0] = pltpu.async_copy(x_hbm.at[pl.ds(base, _CH)], bufs[0], gsems[0])
    for i in range(_NCHUNK):
        b = i % 2
        nb = (i + 1) % 2
        if i + 1 < _NCHUNK:
            if i - 1 >= 0:
                scatters[i - 1].wait()
            gathers[i + 1] = pltpu.async_copy(
                x_hbm.at[pl.ds(base + (i + 1) * _CH, _CH)], bufs[nb], gsems[nb]
            )
        gathers[i].wait()
        scatters[i] = pltpu.async_copy(
            bufs[b], out_hbm.at[pl.ds(base + i * _CH, _CH)], ssems[b]
        )
    scatters[_NCHUNK - 2].wait()
    scatters[_NCHUNK - 1].wait()


def kernel(edge_index):
    E = edge_index.shape[1]
    x = edge_index.reshape(_TOTAL)
    run = pl.kernel(
        _sc_copy,
        out_type=jax.ShapeDtypeStruct((_TOTAL,), jnp.int32),
        mesh=plsc.VectorSubcoreMesh(
            core_axis_name="c",
            subcore_axis_name="s",
            num_cores=_NC,
            num_subcores=_NS,
        ),
        scratch_types=[
            pltpu.VMEM((_CH,), jnp.int32),
            pltpu.VMEM((_CH,), jnp.int32),
            pltpu.SemaphoreType.DMA,
            pltpu.SemaphoreType.DMA,
            pltpu.SemaphoreType.DMA,
            pltpu.SemaphoreType.DMA,
        ],
    )
    out = run(x)
    return out.reshape(2, E)

# --- scband reference (transcript-rebuilt; emitter-appended) ---
"""Pipeline reference for scband-edge-dropout-layer-6803228197631 (READ-ONLY COPY).

The authoritative reference and input builder live on the scoring server;
editing this copy changes nothing except your own understanding.
"""

import jax, jax.numpy as jnp
import numpy as np

EDGE_DROPOUT = 0.0

def setup_inputs(seed: int = 0) -> dict:
    key = jax.random.key(seed)
    edge_index = jax.random.randint(key, (2, 6400000), 0, 100000, dtype=jnp.int64 if jax.config.jax_enable_x64 else jnp.int32)
    edge_index = edge_index.astype(jnp.int32)
    return {"edge_index": edge_index}

def reference(edge_index):
    # dropout_adj with p=0 (and in eval mode) is the identity on edge_index:
    # each edge is kept with probability 1 - p = 1.0, so the full edge set is returned.
    # Faithful translation: build the keep mask with keep-prob 1-p and gather kept edges.
    p = EDGE_DROPOUT
    E = edge_index.shape[1]
    if p == 0.0:
        # identity path (matches torch_geometric dropout_adj fast path for p==0 / not training)
        return edge_index
    key = jax.random.key(1)
    keep = jax.random.uniform(key, (E,)) >= p
    idx = jnp.nonzero(keep, size=E, fill_value=0)[0]
    return edge_index[:, idx]

if __name__ == "__main__":
    import jax
    _d = setup_inputs()
    print(jax.jit(kernel)(*tuple(_d.values())))

</pallas_src>

<mosaic_0001>
#map = affine_map<(d0, d1) -> (0)>
module attributes {stable_mosaic.version = 14 : i64} {
  func.func @_sc_copy(%arg0: i32, %arg1: i32, %arg2: memref<12800000xi32, #tpu.memory_space<hbm>>, %arg3: memref<12800000xi32, #tpu.memory_space<hbm>>, %arg4: memref<50000xi32, #tpu.memory_space<vmem>>, %arg5: memref<50000xi32, #tpu.memory_space<vmem>>, %arg6: memref<!tpu.dma_semaphore, #tpu.memory_space<semaphore_mem>>, %arg7: memref<!tpu.dma_semaphore, #tpu.memory_space<semaphore_mem>>, %arg8: memref<!tpu.dma_semaphore, #tpu.memory_space<semaphore_mem>>, %arg9: memref<!tpu.dma_semaphore, #tpu.memory_space<semaphore_mem>>) attributes {dimension_semantics = [#tpu.dimension_semantics<core_parallel>, #tpu.dimension_semantics<subcore_parallel>], iteration_bounds = array<i64: 2, 16>, scalar_prefetch = 0 : i64, scratch_operands = 6 : i64, tpu.core_type = #tpu.core_type<sc_vector_subcore>, window_params = [{transform_indices = #map}, {transform_indices = #map}]} {
    %mul3A = arith.constant 2 : i32
    %mul3A_0 = arith.muli %arg1, %mul3A : i32
    %add3A = arith.addi %mul3A_0, %arg0 : i32
    %mul3A_1 = arith.constant 400000 : i32
    %mul3A_2 = arith.muli %add3A, %mul3A_1 : i32
    %dma_start3A = tpu.memref_slice %arg2[%mul3A_2] : memref<12800000xi32, #tpu.memory_space<hbm>> -> memref<50000xi32, #tpu.memory_space<hbm>>
    %dma_start3A_3 = tpu.memref_slice %arg2[%mul3A_2] : memref<12800000xi32, #tpu.memory_space<hbm>> -> memref<50000xi32, #tpu.memory_space<hbm>>
    tpu.enqueue_dma source(%dma_start3A_3 : memref<50000xi32, #tpu.memory_space<hbm>>) target(%arg4 : memref<50000xi32, #tpu.memory_space<vmem>>) target_semaphore(%arg6 : memref<!tpu.dma_semaphore, #tpu.memory_space<semaphore_mem>>)
    %add3A_4 = arith.constant 50000 : i32
    %add3A_5 = arith.addi %mul3A_2, %add3A_4 : i32
    %dma_start3A_6 = tpu.memref_slice %arg2[%add3A_5] : memref<12800000xi32, #tpu.memory_space<hbm>> -> memref<50000xi32, #tpu.memory_space<hbm>>
    %dma_start3A_7 = tpu.memref_slice %arg2[%add3A_5] : memref<12800000xi32, #tpu.memory_space<hbm>> -> memref<50000xi32, #tpu.memory_space<hbm>>
    tpu.enqueue_dma source(%dma_start3A_7 : memref<50000xi32, #tpu.memory_space<hbm>>) target(%arg5 : memref<50000xi32, #tpu.memory_space<vmem>>) target_semaphore(%arg7 : memref<!tpu.dma_semaphore, #tpu.memory_space<semaphore_mem>>)
    %dma_wait3A = tpu.memref_slice %arg2[%mul3A_2] : memref<12800000xi32, #tpu.memory_space<hbm>> -> memref<50000xi32, #tpu.memory_space<hbm>>
    %dma_wait3A_8 = tpu.memref_slice %arg2[%mul3A_2] : memref<12800000xi32, #tpu.memory_space<hbm>> -> memref<50000xi32, #tpu.memory_space<hbm>>
    tpu.wait_dma2 semaphore(%arg6 : memref<!tpu.dma_semaphore, #tpu.memory_space<semaphore_mem>>) src(%dma_wait3A_8 : memref<50000xi32, #tpu.memory_space<hbm>>) dst(%arg4 : memref<50000xi32, #tpu.memory_space<vmem>>)
    %add3A_9 = arith.constant 0 : i32
    %add3A_10 = arith.addi %mul3A_2, %add3A_9 : i32
    %dma_start3A_11 = tpu.memref_slice %arg3[%add3A_10] : memref<12800000xi32, #tpu.memory_space<hbm>> -> memref<50000xi32, #tpu.memory_space<hbm>>
    %dma_start3A_12 = tpu.memref_slice %arg3[%add3A_10] : memref<12800000xi32, #tpu.memory_space<hbm>> -> memref<50000xi32, #tpu.memory_space<hbm>>
    tpu.enqueue_dma source(%arg4 : memref<50000xi32, #tpu.memory_space<vmem>>) target(%dma_start3A_12 : memref<50000xi32, #tpu.memory_space<hbm>>) target_semaphore(%arg8 : memref<!tpu.dma_semaphore, #tpu.memory_space<semaphore_mem>>)
    %dma_wait3A_13 = tpu.memref_slice %arg3[%add3A_10] : memref<12800000xi32, #tpu.memory_space<hbm>> -> memref<50000xi32, #tpu.memory_space<hbm>>
    %dma_wait3A_14 = tpu.memref_slice %arg3[%add3A_10] : memref<12800000xi32, #tpu.memory_space<hbm>> -> memref<50000xi32, #tpu.memory_space<hbm>>
    tpu.wait_dma2 semaphore(%arg8 : memref<!tpu.dma_semaphore, #tpu.memory_space<semaphore_mem>>) src(%arg4 : memref<50000xi32, #tpu.memory_space<vmem>>) dst(%dma_wait3A_14 : memref<50000xi32, #tpu.memory_space<hbm>>)
    %add3A_15 = arith.constant 100000 : i32
    %add3A_16 = arith.addi %mul3A_2, %add3A_15 : i32
    %dma_start3A_17 = tpu.memref_slice %arg2[%add3A_16] : memref<12800000xi32, #tpu.memory_space<hbm>> -> memref<50000xi32, #tpu.memory_space<hbm>>
    %dma_start3A_18 = tpu.memref_slice %arg2[%add3A_16] : memref<12800000xi32, #tpu.memory_space<hbm>> -> memref<50000xi32, #tpu.memory_space<hbm>>
    tpu.enqueue_dma source(%dma_start3A_18 : memref<50000xi32, #tpu.memory_space<hbm>>) target(%arg4 : memref<50000xi32, #tpu.memory_space<vmem>>) target_semaphore(%arg6 : memref<!tpu.dma_semaphore, #tpu.memory_space<semaphore_mem>>)
    %dma_wait3A_19 = tpu.memref_slice %arg2[%add3A_5] : memref<12800000xi32, #tpu.memory_space<hbm>> -> memref<50000xi32, #tpu.memory_space<hbm>>
    %dma_wait3A_20 = tpu.memref_slice %arg2[%add3A_5] : memref<12800000xi32, #tpu.memory_space<hbm>> -> memref<50000xi32, #tpu.memory_space<hbm>>
    tpu.wait_dma2 semaphore(%arg7 : memref<!tpu.dma_semaphore, #tpu.memory_space<semaphore_mem>>) src(%dma_wait3A_20 : memref<50000xi32, #tpu.memory_space<hbm>>) dst(%arg5 : memref<50000xi32, #tpu.memory_space<vmem>>)
    %add3A_21 = arith.constant 50000 : i32
    %add3A_22 = arith.addi %mul3A_2, %add3A_21 : i32
    %dma_start3A_23 = tpu.memref_slice %arg3[%add3A_22] : memref<12800000xi32, #tpu.memory_space<hbm>> -> memref<50000xi32, #tpu.memory_space<hbm>>
    %dma_start3A_24 = tpu.memref_slice %arg3[%add3A_22] : memref<12800000xi32, #tpu.memory_space<hbm>> -> memref<50000xi32, #tpu.memory_space<hbm>>
    tpu.enqueue_dma source(%arg5 : memref<50000xi32, #tpu.memory_space<vmem>>) target(%dma_start3A_24 : memref<50000xi32, #tpu.memory_space<hbm>>) target_semaphore(%arg9 : memref<!tpu.dma_semaphore, #tpu.memory_space<semaphore_mem>>)
    %dma_wait3A_25 = tpu.memref_slice %arg3[%add3A_22] : memref<12800000xi32, #tpu.memory_space<hbm>> -> memref<50000xi32, #tpu.memory_space<hbm>>
    %dma_wait3A_26 = tpu.memref_slice %arg3[%add3A_22] : memref<12800000xi32, #tpu.memory_space<hbm>> -> memref<50000xi32, #tpu.memory_space<hbm>>
    tpu.wait_dma2 semaphore(%arg9 : memref<!tpu.dma_semaphore, #tpu.memory_space<semaphore_mem>>) src(%arg5 : memref<50000xi32, #tpu.memory_space<vmem>>) dst(%dma_wait3A_26 : memref<50000xi32, #tpu.memory_space<hbm>>)
    %add3A_27 = arith.constant 150000 : i32
    %add3A_28 = arith.addi %mul3A_2, %add3A_27 : i32
    %dma_start3A_29 = tpu.memref_slice %arg2[%add3A_28] : memref<12800000xi32, #tpu.memory_space<hbm>> -> memref<50000xi32, #tpu.memory_space<hbm>>
    %dma_start3A_30 = tpu.memref_slice %arg2[%add3A_28] : memref<12800000xi32, #tpu.memory_space<hbm>> -> memref<50000xi32, #tpu.memory_space<hbm>>
    tpu.enqueue_dma source(%dma_start3A_30 : memref<50000xi32, #tpu.memory_space<hbm>>) target(%arg5 : memref<50000xi32, #tpu.memory_space<vmem>>) target_semaphore(%arg7 : memref<!tpu.dma_semaphore, #tpu.memory_space<semaphore_mem>>)
    %dma_wait3A_31 = tpu.memref_slice %arg2[%add3A_16] : memref<12800000xi32, #tpu.memory_space<hbm>> -> memref<50000xi32, #tpu.memory_space<hbm>>
    %dma_wait3A_32 = tpu.memref_slice %arg2[%add3A_16] : memref<12800000xi32, #tpu.memory_space<hbm>> -> memref<50000xi32, #tpu.memory_space<hbm>>
    tpu.wait_dma2 semaphore(%arg6 : memref<!tpu.dma_semaphore, #tpu.memory_space<semaphore_mem>>) src(%dma_wait3A_32 : memref<50000xi32, #tpu.memory_space<hbm>>) dst(%arg4 : memref<50000xi32, #tpu.memory_space<vmem>>)
    %add3A_33 = arith.constant 100000 : i32
    %add3A_34 = arith.addi %mul3A_2, %add3A_33 : i32
    %dma_start3A_35 = tpu.memref_slice %arg3[%add3A_34] : memref<12800000xi32, #tpu.memory_space<hbm>> -> memref<50000xi32, #tpu.memory_space<hbm>>
    %dma_start3A_36 = tpu.memref_slice %arg3[%add3A_34] : memref<12800000xi32, #tpu.memory_space<hbm>> -> memref<50000xi32, #tpu.memory_space<hbm>>
    tpu.enqueue_dma source(%arg4 : memref<50000xi32, #tpu.memory_space<vmem>>) target(%dma_start3A_36 : memref<50000xi32, #tpu.memory_space<hbm>>) target_semaphore(%arg8 : memref<!tpu.dma_semaphore, #tpu.memory_space<semaphore_mem>>)
    %dma_wait3A_37 = tpu.memref_slice %arg3[%add3A_34] : memref<12800000xi32, #tpu.memory_space<hbm>> -> memref<50000xi32, #tpu.memory_space<hbm>>
    %dma_wait3A_38 = tpu.memref_slice %arg3[%add3A_34] : memref<12800000xi32, #tpu.memory_space<hbm>> -> memref<50000xi32, #tpu.memory_space<hbm>>
    tpu.wait_dma2 semaphore(%arg8 : memref<!tpu.dma_semaphore, #tpu.memory_space<semaphore_mem>>) src(%arg4 : memref<50000xi32, #tpu.memory_space<vmem>>) dst(%dma_wait3A_38 : memref<50000xi32, #tpu.memory_space<hbm>>)
    %add3A_39 = arith.constant 200000 : i32
    %add3A_40 = arith.addi %mul3A_2, %add3A_39 : i32
    %dma_start3A_41 = tpu.memref_slice %arg2[%add3A_40] : memref<12800000xi32, #tpu.memory_space<hbm>> -> memref<50000xi32, #tpu.memory_space<hbm>>
    %dma_start3A_42 = tpu.memref_slice %arg2[%add3A_40] : memref<12800000xi32, #tpu.memory_space<hbm>> -> memref<50000xi32, #tpu.memory_space<hbm>>
    tpu.enqueue_dma source(%dma_start3A_42 : memref<50000xi32, #tpu.memory_space<hbm>>) target(%arg4 : memref<50000xi32, #tpu.memory_space<vmem>>) target_semaphore(%arg6 : memref<!tpu.dma_semaphore, #tpu.memory_space<semaphore_mem>>)
    %dma_wait3A_43 = tpu.memref_slice %arg2[%add3A_28] : memref<12800000xi32, #tpu.memory_space<hbm>> -> memref<50000xi32, #tpu.memory_space<hbm>>
    %dma_wait3A_44 = tpu.memref_slice %arg2[%add3A_28] : memref<12800000xi32, #tpu.memory_space<hbm>> -> memref<50000xi32, #tpu.memory_space<hbm>>
    tpu.wait_dma2 semaphore(%arg7 : memref<!tpu.dma_semaphore, #tpu.memory_space<semaphore_mem>>) src(%dma_wait3A_44 : memref<50000xi32, #tpu.memory_space<hbm>>) dst(%arg5 : memref<50000xi32, #tpu.memory_space<vmem>>)
    %add3A_45 = arith.constant 150000 : i32
    %add3A_46 = arith.addi %mul3A_2, %add3A_45 : i32
    %dma_start3A_47 = tpu.memref_slice %arg3[%add3A_46] : memref<12800000xi32, #tpu.memory_space<hbm>> -> memref<50000xi32, #tpu.memory_space<hbm>>
    %dma_start3A_48 = tpu.memref_slice %arg3[%add3A_46] : memref<12800000xi32, #tpu.memory_space<hbm>> -> memref<50000xi32, #tpu.memory_space<hbm>>
    tpu.enqueue_dma source(%arg5 : memref<50000xi32, #tpu.memory_space<vmem>>) target(%dma_start3A_48 : memref<50000xi32, #tpu.memory_space<hbm>>) target_semaphore(%arg9 : memref<!tpu.dma_semaphore, #tpu.memory_space<semaphore_mem>>)
    %dma_wait3A_49 = tpu.memref_slice %arg3[%add3A_46] : memref<12800000xi32, #tpu.memory_space<hbm>> -> memref<50000xi32, #tpu.memory_space<hbm>>
    %dma_wait3A_50 = tpu.memref_slice %arg3[%add3A_46] : memref<12800000xi32, #tpu.memory_space<hbm>> -> memref<50000xi32, #tpu.memory_space<hbm>>
    tpu.wait_dma2 semaphore(%arg9 : memref<!tpu.dma_semaphore, #tpu.memory_space<semaphore_mem>>) src(%arg5 : memref<50000xi32, #tpu.memory_space<vmem>>) dst(%dma_wait3A_50 : memref<50000xi32, #tpu.memory_space<hbm>>)
    %add3A_51 = arith.constant 250000 : i32
    %add3A_52 = arith.addi %mul3A_2, %add3A_51 : i32
    %dma_start3A_53 = tpu.memref_slice %arg2[%add3A_52] : memref<12800000xi32, #tpu.memory_space<hbm>> -> memref<50000xi32, #tpu.memory_space<hbm>>
    %dma_start3A_54 = tpu.memref_slice %arg2[%add3A_52] : memref<12800000xi32, #tpu.memory_space<hbm>> -> memref<50000xi32, #tpu.memory_space<hbm>>
    tpu.enqueue_dma source(%dma_start3A_54 : memref<50000xi32, #tpu.memory_space<hbm>>) target(%arg5 : memref<50000xi32, #tpu.memory_space<vmem>>) target_semaphore(%arg7 : memref<!tpu.dma_semaphore, #tpu.memory_space<semaphore_mem>>)
    %dma_wait3A_55 = tpu.memref_slice %arg2[%add3A_40] : memref<12800000xi32, #tpu.memory_space<hbm>> -> memref<50000xi32, #tpu.memory_space<hbm>>
    %dma_wait3A_56 = tpu.memref_slice %arg2[%add3A_40] : memref<12800000xi32, #tpu.memory_space<hbm>> -> memref<50000xi32, #tpu.memory_space<hbm>>
    tpu.wait_dma2 semaphore(%arg6 : memref<!tpu.dma_semaphore, #tpu.memory_space<semaphore_mem>>) src(%dma_wait3A_56 : memref<50000xi32, #tpu.memory_space<hbm>>) dst(%arg4 : memref<50000xi32, #tpu.memory_space<vmem>>)
    %add3A_57 = arith.constant 200000 : i32
    %add3A_58 = arith.addi %mul3A_2, %add3A_57 : i32
    %dma_start3A_59 = tpu.memref_slice %arg3[%add3A_58] : memref<12800000xi32, #tpu.memory_space<hbm>> -> memref<50000xi32, #tpu.memory_space<hbm>>
    %dma_start3A_60 = tpu.memref_slice %arg3[%add3A_58] : memref<12800000xi32, #tpu.memory_space<hbm>> -> memref<50000xi32, #tpu.memory_space<hbm>>
    tpu.enqueue_dma source(%arg4 : memref<50000xi32, #tpu.memory_space<vmem>>) target(%dma_start3A_60 : memref<50000xi32, #tpu.memory_space<hbm>>) target_semaphore(%arg8 : memref<!tpu.dma_semaphore, #tpu.memory_space<semaphore_mem>>)
    %dma_wait3A_61 = tpu.memref_slice %arg3[%add3A_58] : memref<12800000xi32, #tpu.memory_space<hbm>> -> memref<50000xi32, #tpu.memory_space<hbm>>
    %dma_wait3A_62 = tpu.memref_slice %arg3[%add3A_58] : memref<12800000xi32, #tpu.memory_space<hbm>> -> memref<50000xi32, #tpu.memory_space<hbm>>
    tpu.wait_dma2 semaphore(%arg8 : memref<!tpu.dma_semaphore, #tpu.memory_space<semaphore_mem>>) src(%arg4 : memref<50000xi32, #tpu.memory_space<vmem>>) dst(%dma_wait3A_62 : memref<50000xi32, #tpu.memory_space<hbm>>)
    %add3A_63 = arith.constant 300000 : i32
    %add3A_64 = arith.addi %mul3A_2, %add3A_63 : i32
    %dma_start3A_65 = tpu.memref_slice %arg2[%add3A_64] : memref<12800000xi32, #tpu.memory_space<hbm>> -> memref<50000xi32, #tpu.memory_space<hbm>>
    %dma_start3A_66 = tpu.memref_slice %arg2[%add3A_64] : memref<12800000xi32, #tpu.memory_space<hbm>> -> memref<50000xi32, #tpu.memory_space<hbm>>
    tpu.enqueue_dma source(%dma_start3A_66 : memref<50000xi32, #tpu.memory_space<hbm>>) target(%arg4 : memref<50000xi32, #tpu.memory_space<vmem>>) target_semaphore(%arg6 : memref<!tpu.dma_semaphore, #tpu.memory_space<semaphore_mem>>)
    %dma_wait3A_67 = tpu.memref_slice %arg2[%add3A_52] : memref<12800000xi32, #tpu.memory_space<hbm>> -> memref<50000xi32, #tpu.memory_space<hbm>>
    %dma_wait3A_68 = tpu.memref_slice %arg2[%add3A_52] : memref<12800000xi32, #tpu.memory_space<hbm>> -> memref<50000xi32, #tpu.memory_space<hbm>>
    tpu.wait_dma2 semaphore(%arg7 : memref<!tpu.dma_semaphore, #tpu.memory_space<semaphore_mem>>) src(%dma_wait3A_68 : memref<50000xi32, #tpu.memory_space<hbm>>) dst(%arg5 : memref<50000xi32, #tpu.memory_space<vmem>>)
    %add3A_69 = arith.constant 250000 : i32
    %add3A_70 = arith.addi %mul3A_2, %add3A_69 : i32
    %dma_start3A_71 = tpu.memref_slice %arg3[%add3A_70] : memref<12800000xi32, #tpu.memory_space<hbm>> -> memref<50000xi32, #tpu.memory_space<hbm>>
    %dma_start3A_72 = tpu.memref_slice %arg3[%add3A_70] : memref<12800000xi32, #tpu.memory_space<hbm>> -> memref<50000xi32, #tpu.memory_space<hbm>>
    tpu.enqueue_dma source(%arg5 : memref<50000xi32, #tpu.memory_space<vmem>>) target(%dma_start3A_72 : memref<50000xi32, #tpu.memory_space<hbm>>) target_semaphore(%arg9 : memref<!tpu.dma_semaphore, #tpu.memory_space<semaphore_mem>>)
    %dma_wait3A_73 = tpu.memref_slice %arg3[%add3A_70] : memref<12800000xi32, #tpu.memory_space<hbm>> -> memref<50000xi32, #tpu.memory_space<hbm>>
    %dma_wait3A_74 = tpu.memref_slice %arg3[%add3A_70] : memref<12800000xi32, #tpu.memory_space<hbm>> -> memref<50000xi32, #tpu.memory_space<hbm>>
    tpu.wait_dma2 semaphore(%arg9 : memref<!tpu.dma_semaphore, #tpu.memory_space<semaphore_mem>>) src(%arg5 : memref<50000xi32, #tpu.memory_space<vmem>>) dst(%dma_wait3A_74 : memref<50000xi32, #tpu.memory_space<hbm>>)
    %add3A_75 = arith.constant 350000 : i32
    %add3A_76 = arith.addi %mul3A_2, %add3A_75 : i32
    %dma_start3A_77 = tpu.memref_slice %arg2[%add3A_76] : memref<12800000xi32, #tpu.memory_space<hbm>> -> memref<50000xi32, #tpu.memory_space<hbm>>
    %dma_start3A_78 = tpu.memref_slice %arg2[%add3A_76] : memref<12800000xi32, #tpu.memory_space<hbm>> -> memref<50000xi32, #tpu.memory_space<hbm>>
    tpu.enqueue_dma source(%dma_start3A_78 : memref<50000xi32, #tpu.memory_space<hbm>>) target(%arg5 : memref<50000xi32, #tpu.memory_space<vmem>>) target_semaphore(%arg7 : memref<!tpu.dma_semaphore, #tpu.memory_space<semaphore_mem>>)
    %dma_wait3A_79 = tpu.memref_slice %arg2[%add3A_64] : memref<12800000xi32, #tpu.memory_space<hbm>> -> memref<50000xi32, #tpu.memory_space<hbm>>
    %dma_wait3A_80 = tpu.memref_slice %arg2[%add3A_64] : memref<12800000xi32, #tpu.memory_space<hbm>> -> memref<50000xi32, #tpu.memory_space<hbm>>
    tpu.wait_dma2 semaphore(%arg6 : memref<!tpu.dma_semaphore, #tpu.memory_space<semaphore_mem>>) src(%dma_wait3A_80 : memref<50000xi32, #tpu.memory_space<hbm>>) dst(%arg4 : memref<50000xi32, #tpu.memory_space<vmem>>)
    %add3A_81 = arith.constant 300000 : i32
    %add3A_82 = arith.addi %mul3A_2, %add3A_81 : i32
    %dma_start3A_83 = tpu.memref_slice %arg3[%add3A_82] : memref<12800000xi32, #tpu.memory_space<hbm>> -> memref<50000xi32, #tpu.memory_space<hbm>>
    %dma_start3A_84 = tpu.memref_slice %arg3[%add3A_82] : memref<12800000xi32, #tpu.memory_space<hbm>> -> memref<50000xi32, #tpu.memory_space<hbm>>
    tpu.enqueue_dma source(%arg4 : memref<50000xi32, #tpu.memory_space<vmem>>) target(%dma_start3A_84 : memref<50000xi32, #tpu.memory_space<hbm>>) target_semaphore(%arg8 : memref<!tpu.dma_semaphore, #tpu.memory_space<semaphore_mem>>)
    %dma_wait3A_85 = tpu.memref_slice %arg2[%add3A_76] : memref<12800000xi32, #tpu.memory_space<hbm>> -> memref<50000xi32, #tpu.memory_space<hbm>>
    %dma_wait3A_86 = tpu.memref_slice %arg2[%add3A_76] : memref<12800000xi32, #tpu.memory_space<hbm>> -> memref<50000xi32, #tpu.memory_space<hbm>>
    tpu.wait_dma2 semaphore(%arg7 : memref<!tpu.dma_semaphore, #tpu.memory_space<semaphore_mem>>) src(%dma_wait3A_86 : memref<50000xi32, #tpu.memory_space<hbm>>) dst(%arg5 : memref<50000xi32, #tpu.memory_space<vmem>>)
    %add3A_87 = arith.constant 350000 : i32
    %add3A_88 = arith.addi %mul3A_2, %add3A_87 : i32
    %dma_start3A_89 = tpu.memref_slice %arg3[%add3A_88] : memref<12800000xi32, #tpu.memory_space<hbm>> -> memref<50000xi32, #tpu.memory_space<hbm>>
    %dma_start3A_90 = tpu.memref_slice %arg3[%add3A_88] : memref<12800000xi32, #tpu.memory_space<hbm>> -> memref<50000xi32, #tpu.memory_space<hbm>>
    tpu.enqueue_dma source(%arg5 : memref<50000xi32, #tpu.memory_space<vmem>>) target(%dma_start3A_90 : memref<50000xi32, #tpu.memory_space<hbm>>) target_semaphore(%arg9 : memref<!tpu.dma_semaphore, #tpu.memory_space<semaphore_mem>>)
    %dma_wait3A_91 = tpu.memref_slice %arg3[%add3A_82] : memref<12800000xi32, #tpu.memory_space<hbm>> -> memref<50000xi32, #tpu.memory_space<hbm>>
    %dma_wait3A_92 = tpu.memref_slice %arg3[%add3A_82] : memref<12800000xi32, #tpu.memory_space<hbm>> -> memref<50000xi32, #tpu.memory_space<hbm>>
    tpu.wait_dma2 semaphore(%arg8 : memref<!tpu.dma_semaphore, #tpu.memory_space<semaphore_mem>>) src(%arg4 : memref<50000xi32, #tpu.memory_space<vmem>>) dst(%dma_wait3A_92 : memref<50000xi32, #tpu.memory_space<hbm>>)
    %dma_wait3A_93 = tpu.memref_slice %arg3[%add3A_88] : memref<12800000xi32, #tpu.memory_space<hbm>> -> memref<50000xi32, #tpu.memory_space<hbm>>
    %dma_wait3A_94 = tpu.memref_slice %arg3[%add3A_88] : memref<12800000xi32, #tpu.memory_space<hbm>> -> memref<50000xi32, #tpu.memory_space<hbm>>
    tpu.wait_dma2 semaphore(%arg9 : memref<!tpu.dma_semaphore, #tpu.memory_space<semaphore_mem>>) src(%arg5 : memref<50000xi32, #tpu.memory_space<vmem>>) dst(%dma_wait3A_94 : memref<50000xi32, #tpu.memory_space<hbm>>)
    return
  }
}

</mosaic_0001>

<sc_bundles>
// kernel: kernel.3.cloned.1.call-start
scs
__scs_entry_jumppad:
0x0: {  	(pc) =	sbr.rel $0x88, $3  }
0x1: {  	(tag) =	ssettag $0x0;
	lr =	simm.s32 $0x1  }
0x2: {  	[smem:$0x3FA0] =	sst lr;
	_ =	strace $0xD0000000  }
0x3: {  	_ = 	snop  }
0x4: {  	_ = 	snop  }
0x5: {  	_ = 	snop  }
0x6: {  	_ = 	snop  }
0x7: {  	_ = 	snop  }
__scs_overlays_trampoline_lowered:
0x8: {  	[smem:$0x3FAF] =	sst s0  }
0x9: {  	[smem:$0x3FB0] =	sst s1  }
0xa: {  	[smem:$0x3FB1] =	sst s2  }
0xb: {  	[smem:$0x3FB2] =	sst s3  }
0xc: {  	[smem:$0x3FB3] =	sst s4  }
0xd: {  	[smem:$0x3FB4] =	sst s5  }
0xe: {  	[smem:$0x3FB5] =	sst s6  }
0xf: {  	[smem:$0x3FB6] =	sst s7  }
0x10: {  	[smem:$0x3FB7] =	sst s8  }
0x11: {  	[smem:$0x3FB8] =	sst s9;
	s0 =	simm.s32 @!p0 $0x0  }
0x12: {  	s1 =	sld [smem:$0x3F9E];
	s0 =	simm.s32 @p0 $0x1  }
0x13: {  	[smem:$0x3FB9] =	sst s0;
	s0 =	simm.s32 @!p1 $0x0  }
0x14: {  	s2 =	sld [smem:$0x3F9D];
	s0 =	simm.s32 @p1 $0x1  }
0x15: {  	[smem:$0x3FBA] =	sst s0;
	s0 =	simm.s32 @!p2 $0x0  }
0x16: {  	s3 =	sld [smem:$0x3FDB];
	s0 =	simm.s32 @p2 $0x1  }
0x17: {  	s4 =	simm.s32 $0x1BF5;
	[smem:$0x3FBC] =	sst s0  }
0x18: {  	s0 =	sld [smem:$0x3F9F];
	_ =	swait.ge [sflag:s4], $0x0  }
0x19: {  	s7 =	sld [smem:$0x3FA0]  }
0x1a: {  	s8 =	sadd.s32 $0xFFFFE003, lr  }
0x1b: {  	s9 =	sadd.s32 $0xFFFFFEF7, lr;
	s5 =	simm.s32 $0xFFFFFFFF;
	p2 =	slt.u32 s8, $0xFFFFF086  }
0x1c: {  	p1 =	slt.u32 s9, $0xF7A;
	s5 =	simm.s32 @!p2 $0x0  }
0x1d: {  	s5 =	simm.s32 @p1 $0x1;
	p0 =	seq.s32 s7, s2  }
0x1e: {  	s7 =	smul.u32 @!p0 $0xF7A, s2;
	p2 =	seq.s32 @!p0 s5, $0x0  }
0x1f: {  	s9 =	smul.u32 $0xF7A, s1;
	s8 =	simm.s32 @!p0 $0x1BF5;
	p2 =	por !p2, p0  }
0x20: {  	[sflag:s8] =	ssyncset.s32 @!p0 $0xFFFFF086;
	s6 =	sadd.s32 @!p0 s3, s7;
	s7 =	simm.s32 @!p0 $0x108  }
0x21: {  	s3 =	sadd.s32 s3, s9;
	s6 =	sadd.s32 @!p0 $0x88, s6;
	s7 =	simm.s32 @p2 $0x1082  }
0x22: {  	[simem:s7], [sflag:s8] =	dma.local @!p0 [hbm:s6], $0xF7A  }
0x23: {  	s9 =	sor.u32 $0xD0000000, s2;
	s6 =	simm.s32 $0x108;
	_ =	swait.ge @!p0 [sflag:s8], $0x0  }
0x24: {  	s3 =	sadd.s32 $0x88, s3;
	s6 =	simm.s32 @!p1 $0x1082;
	[sflag:s4] =	ssyncset.s32 $0xFFFFF086  }
0x25: {  	[simem:s6], [sflag:s4] =	dma.local [hbm:s3], $0xF7A  }
0x26: {  	[smem:$0x3FA0] =	sst s1;
	(tag) =	ssettag s2;
	_ =	strace s9  }
0x27: {  	s1 =	sld [smem:$0x3FB0]  }
0x28: {  	s2 =	sld [smem:$0x3FB1]  }
0x29: {  	s4 =	sld [smem:$0x3FB3]  }
0x2a: {  	p0 =	seq.s32 s5, $0x0;
	s5 =	sld [smem:$0x3FB4]  }
0x2b: {  	s6 =	sld [smem:$0x3FB5]  }
0x2c: {  	s7 =	sld [smem:$0x3FB6]  }
0x2d: {  	s3 =	simm.s32 $0x108;
	s8 =	sld [smem:$0x3FB7]  }
0x2e: {  	s3 =	simm.s32 @!p0 $0x1082;
	s9 =	sld [smem:$0x3FB8]  }
0x2f: {  	lr =	sadd.s32 s0, s3;
	s0 =	sld [smem:$0x3FAF]  }
0x30: {  	s3 =	sld [smem:$0x3FB2]  }
0x31: {  	[smem:$0x3FBB] =	sst s10  }
0x32: {  	s10 =	sld [smem:$0x3FB9];
	_ =	sdelay $0x3  }
0x33: {  	p0 =	seq.s32 s10, $0x1;
	s10 =	sld [smem:$0x3FBB];
	_ =	sdelay $0x3  }
0x34: {  	[smem:$0x3FBB] =	sst s10  }
0x35: {  	s10 =	sld [smem:$0x3FBA];
	_ =	sdelay $0x3  }
0x36: {  	p1 =	seq.s32 s10, $0x1;
	s10 =	sld [smem:$0x3FBB];
	_ =	sdelay $0x3  }
0x37: {  	[smem:$0x3FBB] =	sst s10  }
0x38: {  	s10 =	sld [smem:$0x3FBC]  }
0x39: {  	_ = 	snop;
	(pc) =	sbr.ind lr, $3  }
0x3a: {  	_ = 	snop  }
0x3b: {  	_ = 	snop  }
0x3c: {  	p2 =	seq.s32 s10, $0x1;
	s10 =	sld [smem:$0x3FBB]  }
0x3d: {  	_ =	shalt  }
0x3e: {  	_ =	shalt  }
0x3f: {  	_ =	shalt  }
0x40: {  	_ =	shalt  }
0x41: {  	_ =	shalt  }
0x42: {  	_ =	shalt  }
0x43: {  	_ =	shalt  }
0x44: {  	_ =	shalt  }
0x45: {  	_ =	shalt  }
0x46: {  	_ =	shalt  }
0x47: {  	_ =	shalt  }
0x48: {  	_ =	shalt  }
0x49: {  	_ =	shalt  }
0x4a: {  	_ =	shalt  }
0x4b: {  	_ =	shalt  }
0x4c: {  	_ =	shalt  }
0x4d: {  	_ =	shalt  }
0x4e: {  	_ =	shalt  }
0x4f: {  	_ =	shalt  }
0x50: {  	_ =	shalt  }
0x51: {  	_ =	shalt  }
0x52: {  	_ =	shalt  }
0x53: {  	_ =	shalt  }
0x54: {  	_ =	shalt  }
0x55: {  	_ =	shalt  }
0x56: {  	_ =	shalt  }
0x57: {  	_ =	shalt  }
0x58: {  	_ =	shalt  }
0x59: {  	_ =	shalt  }
0x5a: {  	_ =	shalt  }
0x5b: {  	_ =	shalt  }
0x5c: {  	_ =	shalt  }
0x5d: {  	_ =	shalt  }
0x5e: {  	_ =	shalt  }
0x5f: {  	_ =	shalt  }
0x60: {  	_ =	shalt  }
0x61: {  	_ =	shalt  }
0x62: {  	_ =	shalt  }
0x63: {  	_ =	shalt  }
0x64: {  	_ =	shalt  }
0x65: {  	_ =	shalt  }
0x66: {  	_ =	shalt  }
0x67: {  	_ =	shalt  }
0x68: {  	_ =	shalt  }
0x69: {  	_ =	shalt  }
0x6a: {  	_ =	shalt  }
0x6b: {  	_ =	shalt  }
0x6c: {  	_ =	shalt  }
0x6d: {  	_ =	shalt  }
0x6e: {  	_ =	shalt  }
0x6f: {  	_ =	shalt  }
0x70: {  	_ =	shalt  }
0x71: {  	_ =	shalt  }
0x72: {  	_ =	shalt  }
0x73: {  	_ =	shalt  }
0x74: {  	_ =	shalt  }
0x75: {  	_ =	shalt  }
0x76: {  	_ =	shalt  }
0x77: {  	_ =	shalt  }
0x78: {  	_ =	shalt  }
0x79: {  	_ =	shalt  }
0x7a: {  	_ =	shalt  }
0x7b: {  	_ =	shalt  }
0x7c: {  	_ =	shalt  }
0x7d: {  	_ =	shalt  }
0x7e: {  	_ =	shalt  }
0x7f: {  	_ =	shalt  }
0x80: {  	_ =	shalt  }
0x81: {  	_ =	shalt  }
0x82: {  	_ =	shalt  }
0x83: {  	_ =	shalt  }
0x84: {  	_ =	shalt  }
0x85: {  	_ =	shalt  }
0x86: {  	_ =	shalt  }
0x87: {  	_ =	shalt  }
.Lfunc_end0:
.L_simem_size_0:
called_computation.1_lowered:
.L_overlay_start_0:
0x88: {  	s2 =	sld [smem:$0x3FD9]  }
0x89: {  	s3 =	sld [smem:$0x3FFE];
	_ =	sdelay $0x1  }
0x8a: {  	s1 =	srdreg.scid  }
0x8b: {  	s0 =	sand.u32 $0x1, s1  }
0x8c: {  	s16 =	sshll.u32 s0, $0xA;
	s2 =	sadd.s32 s3, s2  }
0x8d: {  	s2 =	sadd.s32 s2, s16  }
0x8e: {  	[smem:$0x3FC7] =	sst s2  }
0x8f: {  	_ = 	snop  }
0x90: {  	(tm) =	ssettm $0x1  }
0x91: {  	s17 =	sld [smem:$0x3FFB];
	_ =	sdelay $0x3  }
0x92: {  	_ =	strace s17  }
0x93: {  	s2 =	sld [smem:$0x3FFC];
	_ =	sdelay $0x3  }
0x94: {  	_ =	strace s2  }
0x95: {  	s2 =	sld [smem:$0x3FFD];
	_ =	sdelay $0x3  }
0x96: {  	_ =	strace s2  }
0x97: {  	_ =	strace $0x8FFFFFFF  }
0x98: {  	s18 =	sld [smem:$0x3FDB];
	_ =	sdelay $0x1  }
0x99: {  	s19 =	simm.s32 $_scs_section_size  }
0x9a: {  	s4 =	simm.s32 $_size__tile_overlayer_lowered;
	s5 =	simm.s32 $_tile_overlayer_lowered  }
0x9b: {  	s22 =	simm.s32 $0x1BFF;
	s21 =	sshll.u32 s5, $0x1;
	s2 =	sadd.s32 s19, s18  }
0x9c: {  	s6 =	simm.s32 $0x0;
	s20 =	sshll.u32 s4, $0x1;
	s4 =	sadd.s32 s21, s2  }
0x9d: {  	[timem:s6], [sflag:s22] =	dma.local [hbm:s4], s20  }
0x9e: {  	_ =	swait.ge [sflag:s22], s20  }
0x9f: {  	s3 =	ssub.s32 $0x0, s20;
	[sflag:s22] =	ssyncset.done $0x0  }
0xa0: {  	[sflag:s22] =	ssyncadd.s32 s3;
	_ =	sdelay $0x1  }
0xa1: {  	s23 =	simm.s32 $0x1B8B  }
0xa2: {  	_ =	swait.ge [sflag:s23], $0x1  }
0xa3: {  	[sflag:s23] =	ssyncset.done $0x0  }
0xa4: {  	s25 =	simm.s32 $0x1B8E;
	s24 =	sld [smem:$0x3FFE];
	[sflag:s23] =	ssyncadd.s32 $0xFFFFFFFF  }
0xa5: {  	s26 =	simm.s32 $execute0_lowered;
	[smem:$0x3FD2] =	sst s25  }
0xa6: {  	s4 =	sshll.u32 s26, $0x1;
	_ =	strace $0x80000049;
	[dreg:$0x1] =	wrdreg $0xFFFFFFFF  }
0xa7: {  	s28 =	simm.s32 $_size_execute0_lowered;
	s2 =	sadd.s32 s2, s4;
	[dreg:$0x0] =	wrdreg $0x0  }
0xa8: {  	s4 =	sshll.u32 s28, $0x1;
	[dreg:$0x2] =	wrdreg s2  }
0xa9: {  	[dreg:$0x3] =	wrdreg s4  }
0xaa: {  	[dreg:$0x4] =	wrdreg $0xC0  }
0xab: {  	_ =	task [dreg:s6], $0x5FFFF  }
0xac: {  	[dreg:$0x1] =	wrdreg $0xFFFFFFFF  }
0xad: {  	[dreg:$0x0] =	wrdreg $0x60  }
0xae: {  	[dreg:$0x2] =	wrdreg s24  }
0xaf: {  	[dreg:$0x3] =	wrdreg $0x9  }
0xb0: {  	_ =	task.clear_ibuf [dreg:s6], $0x4FFFF;
	_ =	strace $0x90000049  }
0xb1: {  	s29 =	simm.s32 $0x9;
	_ =	strace $0x8000004B  }
0xb2: {  	_ =	swait.ge [sflag:s29], $0x1  }
0xb3: {  	[sflag:s29] =	ssyncadd.s32 $0xFFFFFFFF  }
0xb4: {  	_ =	strace $0x9000004B  }
0xb5: {  	_ =	sfence  }
0xb6: {  	s30 =	sld [smem:$0x0];
	_ =	sdelay $0x2  }
0xb7: {  	s31 =	sshll.u32 s1, $0xD;
	s1 =	sshrl.u32 s1, $0x2  }
0xb8: {  	s3 =	sand.u32 $0x4000, s31;
	s1 =	sadd.s32 s1, s30  }
0xb9: {  	s0 =	sor.u32 s3, s0;
	s1 =	sshll.u32 s1, $0x11  }
0xba: {  	s0 =	sor.u32 s1, s0  }
0xbb: {  	s0 =	sadd.s32 $0x8F2B, s0  }
0xbc: {  	[sflag:s0] =	ssyncadd.remote.s32 $0x1  }
0xbd: {  	_ =	sfence.sel $0xFFFF  }
0xbe: {  	[dreg:$0x0] =	wrdreg $0xFFFFFFFF;
	(pc) =	sbr.abs _section_cstart, $3  }
0xbf: {  	[dreg:$0x1] =	wrdreg $0xFFFFFFFF  }
0xc0: {  	_ =	task.clear_ibuf [dreg:s6], $0x2FFFF;
	_ =	strace $0x9FFFFFFF  }
0xc1: {  	(tm) =	ssettm $0x7FFFFFFF  }
tec
execute0_lowered:
.L_overlay_start_1:
0x0: {  	(tag) =	ssettag $0x1  }
0x1: {  	s1 =	srdreg.scid;
	s0 =	stileid.u32  }
0x2: {  	s23 =	sand.u32 $0x1, s1;
	s29 =	sshll.u32 s0, $0x1  }
0x3: {  	s1 =	sor.u32 s23, s29  }
0x4: {  	s7 =	rddreg [dreg:$0x0];
	s2 =	simm.s32 $0x0;
	s3 =	smul.u32 $0x61A80, s1  }
0x5: {  	[smem:$0x7FF] =	sst s2  }
0x6: {  	s21 =	sadd.s32 $0xA00, s7;
	s1 =	rddreg [dreg:$0x1];
	s22 =	sshrl.u32 s3, $0x3  }
0x7: {  	_ =	strace $0x8000004A;
	s3 =	sadd.s32 s21, s22;
	s11 =	sadd.s32 $0x186A, s22  }
0x8: {  	[tilespmem:s2], [sflag:$0x1] =	stream.linear.gather [hbm4b:s3+s2], $0xC350, $0x38;
	[tilespmem:$0x18700] =	vst v63  }
0x9: {  	s5 =	simm.s32 $0xC380;
	s6 =	simm.s32 $0x1;
	s4 =	sadd.s32 s21, s11  }
0xa: {  	[tilespmem:s5], [sflag:$0x2] =	stream.linear.gather [hbm4b:s4+s2], $0xC350, $0x38;
	[tilespmem:$0x18700] =	vst v63  }
0xb: {  	_ =	swait.ge [sflag:s6], $0xC350  }
0xc: {  	s24 =	sadd.s32 $0x187400, s7;
	[sflag:s6] =	ssyncset.done $0x0  }
0xd: {  	s8 =	simm.s32 $0x3;
	s7 =	sadd.s32 s24, s22;
	[sflag:s6] =	ssyncadd.s32 $0xFFFF3CB0  }
0xe: {  	[hbm4b:s7+s2] =	stream.linear.scatter [tilespmem:s2], [sflag:$0x3], $0xC350, $0x38;
	[tilespmem:$0x18700] =	vst v63  }
0xf: {  	_ =	swait.ge [sflag:s8], $0xC350  }
0x10: {  	s14 =	sadd.s32 $0x30D4, s22;
	[sflag:s8] =	ssyncset.done $0x0  }
0x11: {  	s10 =	simm.s32 $0x2;
	s9 =	sadd.s32 s21, s14;
	[sflag:s8] =	ssyncadd.s32 $0xFFFF3CB0  }
0x12: {  	[tilespmem:s2], [sflag:$0x1] =	stream.linear.gather [hbm4b:s9+s2], $0xC350, $0x38;
	[tilespmem:$0x18700] =	vst v63  }
0x13: {  	_ =	swait.ge [sflag:s10], $0xC350  }
0x14: {  	[sflag:s10] =	ssyncset.done $0x0  }
0x15: {  	s12 =	sadd.s32 s24, s11;
	s11 =	simm.s32 $0x4;
	[sflag:s10] =	ssyncadd.s32 $0xFFFF3CB0  }
0x16: {  	[hbm4b:s12+s2] =	stream.linear.scatter [tilespmem:s5], [sflag:$0x4], $0xC350, $0x38;
	[tilespmem:$0x18700] =	vst v63  }
0x17: {  	_ =	swait.ge [sflag:s11], $0xC350  }
0x18: {  	s16 =	sadd.s32 $0x493E, s22;
	[sflag:s11] =	ssyncset.done $0x0  }
0x19: {  	s13 =	sadd.s32 s21, s16;
	[sflag:s11] =	ssyncadd.s32 $0xFFFF3CB0  }
0x1a: {  	[tilespmem:s5], [sflag:$0x2] =	stream.linear.gather [hbm4b:s13+s2], $0xC350, $0x38;
	[tilespmem:$0x18700] =	vst v63  }
0x1b: {  	_ =	swait.ge [sflag:s6], $0xC350  }
0x1c: {  	[sflag:s6] =	ssyncset.done $0x0  }
0x1d: {  	s14 =	sadd.s32 s24, s14;
	[sflag:s6] =	ssyncadd.s32 $0xFFFF3CB0  }
0x1e: {  	[hbm4b:s14+s2] =	stream.linear.scatter [tilespmem:s2], [sflag:$0x3], $0xC350, $0x38;
	[tilespmem:$0x18700] =	vst v63  }
0x1f: {  	_ =	swait.ge [sflag:s8], $0xC350  }
0x20: {  	s18 =	sadd.s32 $0x61A8, s22;
	[sflag:s8] =	ssyncset.done $0x0  }
0x21: {  	s15 =	sadd.s32 s21, s18;
	[sflag:s8] =	ssyncadd.s32 $0xFFFF3CB0  }
0x22: {  	[tilespmem:s2], [sflag:$0x1] =	stream.linear.gather [hbm4b:s15+s2], $0xC350, $0x38;
	[tilespmem:$0x18700] =	vst v63  }
0x23: {  	_ =	swait.ge [sflag:s10], $0xC350  }
0x24: {  	[sflag:s10] =	ssyncset.done $0x0  }
0x25: {  	s16 =	sadd.s32 s24, s16;
	[sflag:s10] =	ssyncadd.s32 $0xFFFF3CB0  }
0x26: {  	[hbm4b:s16+s2] =	stream.linear.scatter [tilespmem:s5], [sflag:$0x4], $0xC350, $0x38;
	[tilespmem:$0x18700] =	vst v63  }
0x27: {  	_ =	swait.ge [sflag:s11], $0xC350  }
0x28: {  	s20 =	sadd.s32 $0x7A12, s22;
	[sflag:s11] =	ssyncset.done $0x0  }
0x29: {  	s17 =	sadd.s32 s21, s20;
	[sflag:s11] =	ssyncadd.s32 $0xFFFF3CB0  }
0x2a: {  	[tilespmem:s5], [sflag:$0x2] =	stream.linear.gather [hbm4b:s17+s2], $0xC350, $0x38;
	[tilespmem:$0x18700] =	vst v63  }
0x2b: {  	_ =	swait.ge [sflag:s6], $0xC350  }
0x2c: {  	[sflag:s6] =	ssyncset.done $0x0  }
0x2d: {  	s18 =	sadd.s32 s24, s18;
	[sflag:s6] =	ssyncadd.s32 $0xFFFF3CB0  }
0x2e: {  	[hbm4b:s18+s2] =	stream.linear.scatter [tilespmem:s2], [sflag:$0x3], $0xC350, $0x38;
	[tilespmem:$0x18700] =	vst v63  }
0x2f: {  	_ =	swait.ge [sflag:s8], $0xC350  }
0x30: {  	s25 =	sadd.s32 $0x927C, s22;
	[sflag:s8] =	ssyncset.done $0x0  }
0x31: {  	s19 =	sadd.s32 s21, s25;
	[sflag:s8] =	ssyncadd.s32 $0xFFFF3CB0  }
0x32: {  	[tilespmem:s2], [sflag:$0x1] =	stream.linear.gather [hbm4b:s19+s2], $0xC350, $0x38;
	[tilespmem:$0x18700] =	vst v63  }
0x33: {  	_ =	swait.ge [sflag:s10], $0xC350  }
0x34: {  	[sflag:s10] =	ssyncset.done $0x0  }
0x35: {  	s20 =	sadd.s32 s24, s20;
	[sflag:s10] =	ssyncadd.s32 $0xFFFF3CB0  }
0x36: {  	[hbm4b:s20+s2] =	stream.linear.scatter [tilespmem:s5], [sflag:$0x4], $0xC350, $0x38;
	[tilespmem:$0x18700] =	vst v63  }
0x37: {  	_ =	swait.ge [sflag:s11], $0xC350  }
0x38: {  	s26 =	sadd.s32 $0xAAE6, s22;
	[sflag:s11] =	ssyncset.done $0x0  }
0x39: {  	s21 =	sadd.s32 s21, s26;
	[sflag:s11] =	ssyncadd.s32 $0xFFFF3CB0  }
0x3a: {  	[tilespmem:s5], [sflag:$0x2] =	stream.linear.gather [hbm4b:s21+s2], $0xC350, $0x38;
	[tilespmem:$0x18700] =	vst v63  }
0x3b: {  	_ =	swait.ge [sflag:s6], $0xC350  }
0x3c: {  	s30 =	ssub.s32 $0x2, s23;
	[sflag:s6] =	ssyncset.done $0x0  }
0x3d: {  	s31 =	sshrl.u32 s30, $0x1;
	s22 =	sadd.s32 s24, s25;
	[sflag:s6] =	ssyncadd.s32 $0xFFFF3CB0  }
0x3e: {  	[hbm4b:s22+s2] =	stream.linear.scatter [tilespmem:s2], [sflag:$0x3], $0xC350, $0x38;
	[tilespmem:$0x18700] =	vst v63  }
0x3f: {  	s23 =	sadd.s32 s24, s26;
	s24 =	ssub.s32 s30, s31;
	_ =	swait.ge [sflag:s10], $0xC350  }
0x40: {  	s24 =	smax.u32 s24, $0x1;
	[sflag:s10] =	ssyncset.done $0x0  }
0x41: {  	p0 =	sne.s32 s24, $0x1;
	[sflag:s10] =	ssyncadd.s32 $0xFFFF3CB0  }
0x42: {  	[hbm4b:s23+s2] =	stream.linear.scatter [tilespmem:s5], [sflag:$0x4], $0xC350, $0x38;
	[tilespmem:$0x18700] =	vst v63  }
.Ltmp0:
0x43: {  	_ =	swait.ge [sflag:s8], $0xC350;
	(pc) =	sbr.rel @!p0 .LBB2_2-.Ltmp0, $4  }
0x44: {  	[sflag:s8] =	ssyncset.done $0x0  }
0x45: {  	[sflag:s8] =	ssyncadd.s32 $0xFFFF3CB0  }
0x46: {  	_ =	swait.ge [sflag:s11], $0xC350  }
0x47: {  	s24 =	sadd.s32 $0xFFFFFFFF, s24;
	[sflag:s11] =	ssyncset.done $0x0  }
.LBB2_1:
0x48: {  	p0 =	sne.s32 s24, $0x1;
	s24 =	sadd.s32 $0xFFFFFFFF, s24;
	[sflag:s11] =	ssyncadd.s32 $0xFFFF3CB0  }
0x49: {  	[tilespmem:s2], [sflag:$0x1] =	stream.linear.gather [hbm4b:s3+s2], $0xC350, $0x38;
	[tilespmem:$0x18700] =	vst v63  }
0x4a: {  	_ = 	snop  }
0x4b: {  	[tilespmem:s5], [sflag:$0x2] =	stream.linear.gather [hbm4b:s4+s2], $0xC350, $0x38;
	[tilespmem:$0x18700] =	vst v63  }
0x4c: {  	_ =	swait.ge [sflag:s6], $0xC350  }
0x4d: {  	[sflag:s6] =	ssyncset.done $0x0  }
0x4e: {  	[sflag:s6] =	ssyncadd.s32 $0xFFFF3CB0  }
0x4f: {  	[hbm4b:s7+s2] =	stream.linear.scatter [tilespmem:s2], [sflag:$0x3], $0xC350, $0x38;
	[tilespmem:$0x18700] =	vst v63  }
0x50: {  	_ =	swait.ge [sflag:s8], $0xC350  }
0x51: {  	[sflag:s8] =	ssyncset.done $0x0  }
0x52: {  	[sflag:s8] =	ssyncadd.s32 $0xFFFF3CB0  }
0x53: {  	[tilespmem:s2], [sflag:$0x1] =	stream.linear.gather [hbm4b:s9+s2], $0xC350, $0x38;
	[tilespmem:$0x18700] =	vst v63  }
0x54: {  	_ =	swait.ge [sflag:s10], $0xC350  }
0x55: {  	[sflag:s10] =	ssyncset.done $0x0  }
0x56: {  	[sflag:s10] =	ssyncadd.s32 $0xFFFF3CB0  }
0x57: {  	[hbm4b:s12+s2] =	stream.linear.scatter [tilespmem:s5], [sflag:$0x4], $0xC350, $0x38;
	[tilespmem:$0x18700] =	vst v63  }
0x58: {  	_ =	swait.ge [sflag:s11], $0xC350  }
0x59: {  	[sflag:s11] =	ssyncset.done $0x0  }
0x5a: {  	[sflag:s11] =	ssyncadd.s32 $0xFFFF3CB0  }
0x5b: {  	[tilespmem:s5], [sflag:$0x2] =	stream.linear.gather [hbm4b:s13+s2], $0xC350, $0x38;
	[tilespmem:$0x18700] =	vst v63  }
0x5c: {  	_ =	swait.ge [sflag:s6], $0xC350  }
0x5d: {  	[sflag:s6] =	ssyncset.done $0x0  }
0x5e: {  	[sflag:s6] =	ssyncadd.s32 $0xFFFF3CB0  }
0x5f: {  	[hbm4b:s14+s2] =	stream.linear.scatter [tilespmem:s2], [sflag:$0x3], $0xC350, $0x38;
	[tilespmem:$0x18700] =	vst v63  }
0x60: {  	_ =	swait.ge [sflag:s8], $0xC350  }
0x61: {  	[sflag:s8] =	ssyncset.done $0x0  }
0x62: {  	[sflag:s8] =	ssyncadd.s32 $0xFFFF3CB0  }
0x63: {  	[tilespmem:s2], [sflag:$0x1] =	stream.linear.gather [hbm4b:s15+s2], $0xC350, $0x38;
	[tilespmem:$0x18700] =	vst v63  }
0x64: {  	_ =	swait.ge [sflag:s10], $0xC350  }
0x65: {  	[sflag:s10] =	ssyncset.done $0x0  }
0x66: {  	[sflag:s10] =	ssyncadd.s32 $0xFFFF3CB0  }
0x67: {  	[hbm4b:s16+s2] =	stream.linear.scatter [tilespmem:s5], [sflag:$0x4], $0xC350, $0x38;
	[tilespmem:$0x18700] =	vst v63  }
0x68: {  	_ =	swait.ge [sflag:s11], $0xC350  }
0x69: {  	[sflag:s11] =	ssyncset.done $0x0  }
0x6a: {  	[sflag:s11] =	ssyncadd.s32 $0xFFFF3CB0  }
0x6b: {  	[tilespmem:s5], [sflag:$0x2] =	stream.linear.gather [hbm4b:s17+s2], $0xC350, $0x38;
	[tilespmem:$0x18700] =	vst v63  }
0x6c: {  	_ =	swait.ge [sflag:s6], $0xC350  }
0x6d: {  	[sflag:s6] =	ssyncset.done $0x0  }
0x6e: {  	[sflag:s6] =	ssyncadd.s32 $0xFFFF3CB0  }
0x6f: {  	[hbm4b:s18+s2] =	stream.linear.scatter [tilespmem:s2], [sflag:$0x3], $0xC350, $0x38;
	[tilespmem:$0x18700] =	vst v63  }
0x70: {  	_ =	swait.ge [sflag:s8], $0xC350  }
0x71: {  	[sflag:s8] =	ssyncset.done $0x0  }
0x72: {  	[sflag:s8] =	ssyncadd.s32 $0xFFFF3CB0  }
0x73: {  	[tilespmem:s2], [sflag:$0x1] =	stream.linear.gather [hbm4b:s19+s2], $0xC350, $0x38;
	[tilespmem:$0x18700] =	vst v63  }
0x74: {  	_ =	swait.ge [sflag:s10], $0xC350  }
0x75: {  	[sflag:s10] =	ssyncset.done $0x0  }
0x76: {  	[sflag:s10] =	ssyncadd.s32 $0xFFFF3CB0  }
0x77: {  	[hbm4b:s20+s2] =	stream.linear.scatter [tilespmem:s5], [sflag:$0x4], $0xC350, $0x38;
	[tilespmem:$0x18700] =	vst v63  }
0x78: {  	_ =	swait.ge [sflag:s11], $0xC350  }
0x79: {  	[sflag:s11] =	ssyncset.done $0x0  }
0x7a: {  	[sflag:s11] =	ssyncadd.s32 $0xFFFF3CB0  }
0x7b: {  	[tilespmem:s5], [sflag:$0x2] =	stream.linear.gather [hbm4b:s21+s2], $0xC350, $0x38;
	[tilespmem:$0x18700] =	vst v63  }
0x7c: {  	_ =	swait.ge [sflag:s6], $0xC350  }
0x7d: {  	[sflag:s6] =	ssyncset.done $0x0  }
0x7e: {  	[sflag:s6] =	ssyncadd.s32 $0xFFFF3CB0  }
0x7f: {  	[hbm4b:s22+s2] =	stream.linear.scatter [tilespmem:s2], [sflag:$0x3], $0xC350, $0x38;
	[tilespmem:$0x18700] =	vst v63  }
0x80: {  	_ =	swait.ge [sflag:s10], $0xC350  }
0x81: {  	[sflag:s10] =	ssyncset.done $0x0  }
0x82: {  	[sflag:s10] =	ssyncadd.s32 $0xFFFF3CB0  }
0x83: {  	[hbm4b:s23+s2] =	stream.linear.scatter [tilespmem:s5], [sflag:$0x4], $0xC350, $0x38;
	[tilespmem:$0x18700] =	vst v63  }
.Ltmp1:
0x84: {  	_ =	swait.ge [sflag:s8], $0xC350;
	(pc) =	sbr.rel @p0 .LBB2_1-.Ltmp1, $4  }
0x85: {  	[sflag:s8] =	ssyncset.done $0x0  }
0x86: {  	[sflag:s8] =	ssyncadd.s32 $0xFFFF3CB0  }
0x87: {  	_ =	swait.ge [sflag:s11], $0xC350  }
0x88: {  	[sflag:s11] =	ssyncset.done $0x0  }
.LBB2_2:
0x89: {  	[sflag:s11] =	ssyncadd.s32 $0xFFFF3CB0  }
0x8a: {  	_ =	sfence.sel $0x180000  }
0x8b: {  	[bflag:$0x0] =	sbarrier.arrive $0xFFFF  }
0x8c: {  	p0 =	sne.s32 s0, $0x0;
	_ =	strace $0x9000004A  }
0x8d: {  	s0 =	sadd.s32 @!p0 $0x100000, s1;
	[bflag:$0x2] =	sbarrier.arrive $0xFFFF  }
0x8e: {  	[sflag:s0] =	ssyncadd.tile.s32 @!p0 $0x1;
	_ =	shalt  }
.Lfunc_end2:
_tile_overlayer_lowered:
.L_overlay_start_2:
0x8f: {  	(tag) =	ssettag $0x2  }
0x90: {  	s0 =	rddreg [dreg:$0x0];
	s2 =	stileid.u32  }
0x91: {  	s1 =	rddreg [dreg:$0x1];
	p0 =	sne.s32 s2, $0x0  }
0x92: {  	s3 =	rddreg [dreg:$0x2];
	[bflag:$0x3] =	sbarrier.arrive $0xFFFF;
	s2 =	simm.s32 @!p0 $0x1C05  }
0x93: {  	[timem:s3], [sflag:s2] =	dma.local @!p0 [hbm:s0], s1  }
0x94: {  	s0 =	simm.s32 @!p0 $0x5  }
0x95: {  	_ =	swait.ge @!p0 [sflag:s0], s1  }
0x96: {  	s1 =	ssub.s32 @!p0 $0x0, s1;
	[sflag:s0] =	ssyncset.done @!p0 $0x0  }
0x97: {  	[sflag:s0] =	ssyncadd.s32 @!p0 s1  }
0x98: {  	[bflag:$0x3] =	sbarrier.arrive $0xFFFF  }
0x99: {  	_ =	shalt  }

// kernel: sparse-core-data-format-call.cloned.1.call-start
scs
called_computation_lowered:
.L_overlay_start_0:
0x0: {  	s2 =	sld [smem:$0x3FD9]  }
0x1: {  	s3 =	sld [smem:$0x3FFE];
	_ =	sdelay $0x1  }
0x2: {  	s1 =	srdreg.scid  }
0x3: {  	s0 =	sand.u32 $0x1, s1  }
0x4: {  	s18 =	sshll.u32 s0, $0xA;
	s2 =	sadd.s32 s3, s2  }
0x5: {  	s2 =	sadd.s32 s2, s18  }
0x6: {  	[smem:$0x3FC7] =	sst s2  }
0x7: {  	_ = 	snop  }
0x8: {  	s2 =	sld [smem:$0x3FC9];
	(tm) =	ssettm $0x1  }
0x9: {  	s19 =	sld [smem:$0x3FFB];
	_ =	sdelay $0x3  }
0xa: {  	_ =	strace s19  }
0xb: {  	s3 =	sld [smem:$0x3FFC];
	_ =	sdelay $0x3  }
0xc: {  	_ =	strace s3  }
0xd: {  	s3 =	sld [smem:$0x3FFD];
	_ =	sdelay $0x3  }
0xe: {  	_ =	strace s3  }
0xf: {  	_ =	strace $0x8FFFFFFF  }
0x10: {  	s20 =	sld [smem:$0x3FDB];
	_ =	sdelay $0x1  }
0x11: {  	s4 =	simm.s32 $_scs_section_size  }
0x12: {  	s5 =	simm.s32 $_size__tile_overlayer_lowered;
	s6 =	simm.s32 $_tile_overlayer_lowered  }
0x13: {  	s23 =	simm.s32 $0x1BFF;
	s22 =	sshll.u32 s6, $0x1;
	s3 =	sadd.s32 s4, s20  }
0x14: {  	s7 =	simm.s32 $0x0;
	s21 =	sshll.u32 s5, $0x1;
	s5 =	sadd.s32 s22, s3  }
0x15: {  	[timem:s7], [sflag:s23] =	dma.local [hbm:s5], s21  }
0x16: {  	_ =	swait.ge [sflag:s23], s21  }
0x17: {  	s4 =	ssub.s32 $0x0, s21;
	[sflag:s23] =	ssyncset.done $0x0  }
0x18: {  	[sflag:s23] =	ssyncadd.s32 s4;
	_ =	sdelay $0x1  }
0x19: {  	s24 =	simm.s32 $0x1B8B  }
0x1a: {  	_ =	swait.ge [sflag:s24], $0x1  }
0x1b: {  	[sflag:s24] =	ssyncset.done $0x0  }
0x1c: {  	s26 =	simm.s32 $0x1B8E;
	s25 =	sld [smem:$0x3FFE];
	[sflag:s24] =	ssyncadd.s32 $0xFFFFFFFF  }
0x1d: {  	s27 =	simm.s32 $execute0_lowered;
	[smem:$0x3FD2] =	sst s26  }
0x1e: {  	s5 =	sshll.u32 s27, $0x1;
	_ =	strace $0x80000046;
	[dreg:$0x1] =	wrdreg $0xFFFFFFFF  }
0x1f: {  	s28 =	simm.s32 $_size_execute0_lowered;
	s3 =	sadd.s32 s3, s5;
	[dreg:$0x0] =	wrdreg $0x0  }
0x20: {  	s5 =	sshll.u32 s28, $0x1;
	[dreg:$0x2] =	wrdreg s3  }
0x21: {  	[dreg:$0x3] =	wrdreg s5  }
0x22: {  	[dreg:$0x4] =	wrdreg $0xC0  }
0x23: {  	_ =	task [dreg:s7], $0x5FFFF  }
0x24: {  	[dreg:$0x1] =	wrdreg $0xFFFFFFFF  }
0x25: {  	[dreg:$0x0] =	wrdreg $0x60  }
0x26: {  	[dreg:$0x2] =	wrdreg s2  }
0x27: {  	[dreg:$0x3] =	wrdreg s25  }
0x28: {  	[dreg:$0x4] =	wrdreg $0x9  }
0x29: {  	_ =	task.clear_ibuf [dreg:s7], $0x5FFFF;
	_ =	strace $0x90000046  }
0x2a: {  	s29 =	simm.s32 $0x9;
	_ =	strace $0x80000048  }
0x2b: {  	_ =	swait.ge [sflag:s29], $0x1  }
0x2c: {  	[sflag:s29] =	ssyncadd.s32 $0xFFFFFFFF  }
0x2d: {  	_ =	strace $0x90000048  }
0x2e: {  	_ =	sfence  }
0x2f: {  	s30 =	sld [smem:$0x0];
	_ =	sdelay $0x2  }
0x30: {  	s31 =	sshll.u32 s1, $0xD;
	s1 =	sshrl.u32 s1, $0x2  }
0x31: {  	s3 =	sand.u32 $0x4000, s31;
	s1 =	sadd.s32 s1, s30  }
0x32: {  	s0 =	sor.u32 s3, s0;
	s1 =	sshll.u32 s1, $0x11  }
0x33: {  	s0 =	sor.u32 s1, s0  }
0x34: {  	s0 =	sadd.s32 $0x8F2B, s0  }
0x35: {  	[sflag:s0] =	ssyncadd.remote.s32 $0x1  }
0x36: {  	_ =	sfence.sel $0xFFFF  }
0x37: {  	[dreg:$0x0] =	wrdreg $0xFFFFFFFF;
	(pc) =	sbr.abs _section_cstart, $3  }
0x38: {  	[dreg:$0x1] =	wrdreg $0xFFFFFFFF  }
0x39: {  	_ =	task.clear_ibuf [dreg:s7], $0x2FFFF;
	_ =	strace $0x9FFFFFFF  }
0x3a: {  	(tm) =	ssettm $0x7FFFFFFF  }
0x3b: {  	_ =	shalt  }
tec
execute0_lowered:
.L_overlay_start_1:
0x0: {  	(tag) =	ssettag $0x1  }
0x1: {  	s0 =	stileid.u32;
	s7 =	rddreg [dreg:$0x0]  }
0x2: {  	s1 =	srdreg.scid;
	s4 =	rddreg [dreg:$0x1]  }
0x3: {  	s30 =	simm.s32 $0x2;
	s10 =	simm.s32 $0x0;
	s14 =	simm.s32 $0x0  }
0x4: {  	s15 =	simm.s32 $0x0;
	s11 =	simm.s32 $0x0;
	s13 =	simm.s32 $0x0  }
0x5: {  	s2 =	sand.u32 $0x1, s1;
	s3 =	sshll.u32 s0, $0x7;
	s1 =	rddreg [dreg:$0x2]  }
0x6: {  	_ =	strace $0x80000047;
	s5 =	ssub.s32 $0xC300, s3;
	s6 =	ssub.s32 $0x2, s2  }
.Ltmp0:
0x7: {  	s5 =	sshrl.u32 s5, $0xB;
	s8 =	sshrl.u32 s6, $0x1;
	(pc) =	sbr.rel .LBB1_1-.Ltmp0, $4  }
0x8: {  	s4 =	sadd.s32 $0xA00, s4;
	s9 =	sadd.s32 $0x1, s5;
	s6 =	ssub.s32 s6, s8  }
0x9: {  	s31 =	sshll.u32 s2, $0x4;
	s5 =	simm.s32 $0x1;
	s6 =	smul.u32 s9, s6  }
0xa: {  	s12 =	smov.u32 s3;
	s7 =	sadd.s32 s7, s31;
	[sflag:s5] =	ssyncpa.u1 $0x0  }
0xb: {  	s9 =	simm.s32 $0x0;
	[sflag:s30] =	ssyncpa.u1 $0x0;
	s8 =	sadd.s32 $0x1, s6  }
.LBB1_4:
0xc: {  	s21 =	simm.s32 $0x0  }
.LBB1_8:
0xd: {  	_ =	sdelay $0x3  }
0xe: {  	v6 =	vld [tilespmem:s18+$0xFFFFFFC0];
	[tilespmem:v0+s20+$0x30 ss:$0x1] =	vst.idx.msk @p0 $0xffff, v2  }
0xf: {  	v58 =	vld [tilespmem:s18+$0xFFFFFFD0];
	[tilespmem:v0+s20+$0x40 ss:$0x1] =	vst.idx.msk @p0 $0xffff, v3;
	s21 =	sadd.s32 @p0 $0x80, s21  }
0x10: {  	v59 =	vld [tilespmem:s18+$0xFFFFFFE0];
	[tilespmem:v0+s20+$0x50 ss:$0x1] =	vst.idx.msk @p0 $0xffff, v5;
	s19 =	smov.u32 @p0 s21  }
0x11: {  	v60 =	vld [tilespmem:s18+$0xFFFFFFF0];
	[tilespmem:v0+s20+$0x60 ss:$0x1] =	vst.idx.msk @p0 $0xffff, v4;
	s19 =	sand.u32 $0x3F80, s19  }
0x12: {  	v61 =	vld [tilespmem:s18+$0x0];
	[tilespmem:v0+s19+$0x70 ss:$0x1] =	vst.idx.msk $0xffff, v1  }
0x13: {  	v62 =	vld [tilespmem:s18+$0x10];
	[tilespmem:v0+s19+$0x0 ss:$0x1] =	vst.idx.msk $0xffff, v6  }
0x14: {  	v63 =	vld [tilespmem:s18+$0x20];
	[tilespmem:v0+s19+$0x10 ss:$0x1] =	vst.idx.msk $0xffff, v58  }
0x15: {  	[tilespmem:v0+s19+$0x20 ss:$0x1] =	vst.idx.msk $0xffff, v59  }
0x16: {  	[tilespmem:v0+s19+$0x30 ss:$0x1] =	vst.idx.msk $0xffff, v60  }
0x17: {  	[tilespmem:v0+s19+$0x40 ss:$0x1] =	vst.idx.msk $0xffff, v61  }
0x18: {  	[tilespmem:v0+s19+$0x50 ss:$0x1] =	vst.idx.msk $0xffff, v62  }
0x19: {  	[tilespmem:v0+s19+$0x60 ss:$0x1] =	vst.idx.msk $0xffff, v63  }
.LBB1_9:
0x1a: {  	s18 =	sand.u32 $0x1FFFFFF, s11  }
0x1b: {  	s19 =	smulhi.u32 $0x14F8B59, s18;
	_ =	sdelay $0x1  }
0x1c: {  	s19 =	sshrl.u32 s19, $0x8  }
0x1d: {  	s19 =	smul.u32 $0xC350, s19  }
0x1e: {  	s15 =	smul.u32 $0xC3500, s15  }
0x1f: {  	s18 =	ssub.s32 s18, s19  }
0x20: {  	s15 =	sadd.s32 s4, s15;
	s18 =	sshll.u32 s18, $0x4  }
0x21: {  	s15 =	sadd.s32 s18, s15  }
0x22: {  	[hbm4b:s15+s9] =	stream.linear.scatter [tilespmem:s17], [sflag:$0x2], s16, $0x38;
	[tilespmem:$0x10000] =	vst v63  }
.LBB1_10:
0x23: {  	p0 =	slt.u32 s13, $0x2  }
0x24: {  	p1 =	sgt.s32 @!p0 s14, $0xC2D0  }
0x25: {  	s15 =	smov.u32 s14;
	s16 =	sshra.s32 @!p0 s14, $0x1F;
	p1 =	por !p1, p0  }
0x26: {  	s14 =	sand.u32 @!p0 s16, s14;
	s15 =	simm.s32 @p1 $0xC2D0  }
0x27: {  	s14 =	ssub.s32 @!p0 s15, s14  }
0x28: {  	s14 =	sadd.s32 @!p0 $0xFFFF3D30, s14  }
0x29: {  	s15 =	sshll.u32 @!p0 s14, $0x7  }
0x2a: {  	p1 =	sgt.s32 @!p0 s14, $0x7F;
	s14 =	ssub.s32 @!p0 $0x4000, s15  }
0x2b: {  	s16 =	sadd.s32 $0x800, s12;
	p1 =	por !p1, p0;
	s14 =	sand.u32 @!p0 $0x3FFFFF80, s14  }
0x2c: {  	s14 =	simm.s32 @!p1 $0x0;
	p1 =	sgt.s32 s16, $0xC34F  }
0x2d: {  	s16 =	smov.u32 @p1 s3;
	p1 =	sne.s32 s13, s8  }
.Ltmp1:
0x2e: {  	_ = 	snop;
	(pc) =	sbr.rel @!p1 .LBB1_11-.Ltmp1, $4  }
0x2f: {  	s10 =	sadd.s32 $0x4000, s10;
	s15 =	simm.s32 @!p0 $0x2  }
0x30: {  	_ =	swait.ge @!p0 [sflag:s15], s14;
	s17 =	ssub.s32 @!p0 $0x0, s14;
	s14 =	smov.u32 s11  }
0x31: {  	s13 =	sadd.s32 $0x1, s13;
	s11 =	smov.u32 s12;
	[sflag:s15] =	ssyncset.done @!p0 $0x0  }
0x32: {  	s12 =	smov.u32 s16;
	[sflag:s15] =	ssyncadd.s32 @!p0 s17;
	s15 =	smov.u32 s2  }
.LBB1_1:
0x33: {  	p0 =	sge.u32 s13, s6  }
0x34: {  	p1 =	sgt.s32 @!p0 s12, $0xC2D0  }
0x35: {  	s16 =	smov.u32 s12;
	s17 =	sshra.s32 @!p0 s12, $0x1F;
	p1 =	por !p1, p0  }
0x36: {  	s17 =	sand.u32 @!p0 s17, s12;
	s16 =	simm.s32 @p1 $0xC2D0  }
0x37: {  	s16 =	ssub.s32 @!p0 s16, s17  }
0x38: {  	s31 =	sadd.s32 $0xFFFFFFFF, s13;
	s18 =	sxor.u32 @!p0 $0xFFFFFFFF, s13;
	s16 =	sadd.s32 @!p0 $0xFFFF3D30, s16  }
0x39: {  	s19 =	simm.s32 @!p0 $0x80;
	s20 =	simm.s32 @!p0 $0x100;
	s17 =	sshll.u32 @!p0 s16, $0x7  }
0x3a: {  	p1 =	sgt.s32 @!p0 s16, $0x7F;
	s16 =	ssub.s32 @!p0 $0x4000, s17;
	s17 =	sshll.u32 @!p0 s18, $0xE  }
0x3b: {  	p1 =	por !p1, p0;
	s18 =	sshll.u32 @!p0 s12, $0x5;
	s16 =	sand.u32 @!p0 $0x3FFFFF80, s16  }
0x3c: {  	s17 =	sand.u32 @!p0 $0x4000, s17;
	s18 =	sadd.s32 @!p0 s18, s7;
	s16 =	simm.s32 @!p1 $0x0  }
0x3d: {  	[tilespmem:s17], [sflag:$0x1] =	stream.strided.gather @!p0 [hbm4b:s18+s19], s16, s20, s19, $0x38;
	[tilespmem:$0x10000] =	vst v63  }
0x3e: {  	p0 =	sge.u32 s31, s6  }
.Ltmp2:
0x3f: {  	_ = 	snop;
	(pc) =	sbr.rel @p0 .LBB1_10-.Ltmp2, $1  }
0x40: {  	_ =	sdelay $0x3  }
0x41: {  	p0 =	sgt.s32 s11, $0xC2D0;
	s16 =	smov.u32 s11;
	s17 =	sshra.s32 s11, $0x1F  }
0x42: {  	s16 =	simm.s32 @!p0 $0xC2D0;
	s17 =	sand.u32 s17, s11  }
0x43: {  	s16 =	ssub.s32 s16, s17  }
0x44: {  	s16 =	sadd.s32 $0xFFFF3D30, s16  }
0x45: {  	s30 =	sshll.u32 s16, $0x7  }
0x46: {  	s17 =	ssub.s32 $0x4000, s30  }
0x47: {  	p0 =	sgt.s32 s16, $0x7F;
	s16 =	sand.u32 $0x3FFFFF80, s17;
	s17 =	sadd.s32 $0x80, s11  }
0x48: {  	s16 =	simm.s32 @p0 $0x0;
	p0 =	slt.s32 s17, $0xC350  }
0x49: {  	s17 =	simm.s32 @!p0 $0xC350  }
0x4a: {  	s20 =	ssub.s32 s17, s11  }
0x4b: {  	p0 =	slt.s32 s20, $0x1  }
.Ltmp3:
0x4c: {  	_ = 	snop;
	(pc) =	sbr.rel @p0 .LBB1_9-.Ltmp3, $4  }
0x4d: {  	_ = 	snop  }
0x4e: {  	s19 =	sshll.u32 s13, $0xE;
	_ =	swait.ge [sflag:s5], s16  }
0x4f: {  	s31 =	sand.u32 $0x4000, s19;
	s18 =	ssub.s32 $0x0, s16;
	[sflag:s5] =	ssyncset.done $0x0  }
0x50: {  	s17 =	sor.u32 $0x8000, s31;
	[sflag:s5] =	ssyncadd.s32 s18  }
0x51: {  	p1 =	sne.s32 s20, $0x1  }
.Ltmp4:
0x52: {  	v0 =	vmov s17;
	(pc) =	sbr.rel @!p1 .LBB1_4-.Ltmp4, $4  }
0x53: {  	_ = 	snop  }
0x54: {  	s18 =	sand.u32 $0x4000, s10  }
0x55: {  	s18 =	sor.u32 $0x40, s18  }
0x56: {  	s19 =	simm.s32 $0x0;
	s21 =	sadd.s32 $0xFFFFFFFF, s20;
	p0 =	por $0x0, $0x0;
	v1 =	vld [tilespmem:s18+$0x30]  }
0x57: {  	v4 =	vld [tilespmem:s18+$0xFFFFFFC0]  }
0x58: {  	v6 =	vld [tilespmem:s18+$0xFFFFFFD0]  }
0x59: {  	v7 =	vld [tilespmem:s18+$0xFFFFFFE0];
	p1 =	sne.s32 s21, $0x1  }
.Ltmp5:
0x5a: {  	v2 =	vld [tilespmem:s18+$0xFFFFFFF0];
	s20 =	sand.u32 $0x3F80, s19;
	(pc) =	sbr.rel @!p1 .LBB1_6-.Ltmp5, $4  }
0x5b: {  	v3 =	vld [tilespmem:s18+$0x0];
	[tilespmem:v0+s20+$0x70 ss:$0x1] =	vst.idx.msk $0xffff, v1  }
0x5c: {  	v5 =	vld [tilespmem:s18+$0x10];
	[tilespmem:v0+s20+$0x0 ss:$0x1] =	vst.idx.msk $0xffff, v4  }
0x5d: {  	v4 =	vld [tilespmem:s18+$0x20];
	[tilespmem:v0+s20+$0x10 ss:$0x1] =	vst.idx.msk $0xffff, v6;
	s18 =	sadd.s32 $0x80, s18  }
0x5e: {  	s22 =	sadd.s32 $0xFFFFFFFF, s21;
	p0 =	por $0x1, $0x1;
	s21 =	simm.s32 $0x0;
	[tilespmem:v0+s20+$0x20 ss:$0x1] =	vst.idx.msk $0xffff, v7;
	v1 =	vld [tilespmem:s18+$0x30]  }
.LBB1_7:
0x5f: {  	p1 =	sne.s32 s22, $0x1;
	v6 =	vld [tilespmem:s18+$0xFFFFFFC0];
	[tilespmem:v0+s20+$0x30 ss:$0x1] =	vst.idx.msk $0xffff, v2  }
0x60: {  	v7 =	vld [tilespmem:s18+$0xFFFFFFD0];
	[tilespmem:v0+s20+$0x40 ss:$0x1] =	vst.idx.msk $0xffff, v3  }
0x61: {  	s21 =	sadd.s32 $0x80, s21;
	v8 =	vld [tilespmem:s18+$0xFFFFFFE0];
	[tilespmem:v0+s20+$0x50 ss:$0x1] =	vst.idx.msk $0xffff, v5  }
.Ltmp6:
0x62: {  	v2 =	vld [tilespmem:s18+$0xFFFFFFF0];
	[tilespmem:v0+s20+$0x60 ss:$0x1] =	vst.idx.msk $0xffff, v4;
	s20 =	sand.u32 $0x3F80, s21;
	(pc) =	sbr.rel @p1 .LBB1_7-.Ltmp6, $4  }
0x63: {  	v3 =	vld [tilespmem:s18+$0x0];
	[tilespmem:v0+s20+$0x70 ss:$0x1] =	vst.idx.msk $0xffff, v1  }
0x64: {  	[tilespmem:v0+s20+$0x0 ss:$0x1] =	vst.idx.msk $0xffff, v6;
	v5 =	vld [tilespmem:s18+$0x10]  }
0x65: {  	[tilespmem:v0+s20+$0x10 ss:$0x1] =	vst.idx.msk $0xffff, v7;
	v4 =	vld [tilespmem:s18+$0x20];
	s18 =	sadd.s32 $0x80, s18  }
0x66: {  	s22 =	sadd.s32 $0xFFFFFFFF, s22;
	v1 =	vld [tilespmem:s18+$0x30];
	[tilespmem:v0+s20+$0x20 ss:$0x1] =	vst.idx.msk $0xffff, v8  }
.Ltmp7:
0x67: {  	_ = 	snop;
	(pc) =	sbr.rel .LBB1_8-.Ltmp7, $1  }
0x68: {  	_ =	sdelay $0x3  }
.LBB1_6:
.Ltmp8:
0x69: {  	(pc) =	sbr.rel .LBB1_8-.Ltmp8, $2  }
0x6a: {  	_ =	sdelay $0x2  }
0x6b: {  	s21 =	simm.s32 $0x0  }
.LBB1_11:
0x6c: {  	_ =	sfence.sel $0x180000  }
0x6d: {  	s2 =	simm.s32 $0x1;
	[bflag:$0x0] =	sbarrier.arrive $0xFFFF  }
0x6e: {  	s31 =	simm.s32 $0x2;
	[sflag:s2] =	ssyncpa.u1 $0x1  }
0x6f: {  	[sflag:s31] =	ssyncpa.u1 $0x1  }
0x70: {  	p0 =	sne.s32 s0, $0x0;
	_ =	strace $0x90000047  }
0x71: {  	s0 =	sadd.s32 @!p0 $0x100000, s1;
	[bflag:$0x2] =	sbarrier.arrive $0xFFFF  }
0x72: {  	[sflag:s0] =	ssyncadd.tile.s32 @!p0 $0x1;
	_ =	shalt  }
.Lfunc_end1:
_tile_overlayer_lowered:
.L_overlay_start_2:
0x73: {  	(tag) =	ssettag $0x2  }
0x74: {  	s0 =	rddreg [dreg:$0x0];
	s2 =	stileid.u32  }
0x75: {  	s1 =	rddreg [dreg:$0x1];
	p0 =	sne.s32 s2, $0x0  }
0x76: {  	s3 =	rddreg [dreg:$0x2];
	[bflag:$0x3] =	sbarrier.arrive $0xFFFF;
	s2 =	simm.s32 @!p0 $0x1C01  }
0x77: {  	[timem:s3], [sflag:s2] =	dma.local @!p0 [hbm:s0], s1  }
0x78: {  	s0 =	simm.s32 @!p0 $0x1  }
0x79: {  	_ =	swait.ge @!p0 [sflag:s0], s1  }
0x7a: {  	s1 =	ssub.s32 @!p0 $0x0, s1;
	[sflag:s0] =	ssyncset.done @!p0 $0x0  }
0x7b: {  	[sflag:s0] =	ssyncadd.s32 @!p0 s1  }
0x7c: {  	[bflag:$0x3] =	sbarrier.arrive $0xFFFF  }
0x7d: {  	_ =	shalt  }

</sc_bundles>
